<compile_context>
chip_gen: v7x
topology: tpu7x:2x2x1
jax: 0.10.2.dev20260603
libtpu: 0.0.44.dev20260713+nightly
codegen_flags: <defaults>
</compile_context>

<pallas_src>
import functools

import jax
import jax.numpy as jnp
from jax import lax
from jax.experimental import pallas as pl
from jax.experimental.pallas import tpu as pltpu
from jax.experimental.pallas import tpu_sc as plsc

EMBED_DIM = 128
NUM_TABLE_ROWS = 1024
NUM_CORES = 2
NUM_SUBCORES = 16
NUM_WORKERS = NUM_CORES * NUM_SUBCORES
CHUNK = 256


def _make_lookup(batch):
    assert batch % (8 * NUM_WORKERS) == 0
    b_per_w = batch // NUM_WORKERS
    assert b_per_w % (2 * CHUNK) == 0
    n_chunks = b_per_w // CHUNK
    pair_steps = n_chunks // 2
    mesh = plsc.VectorSubcoreMesh(core_axis_name="c", subcore_axis_name="s")

    @functools.partial(
        pl.kernel,
        mesh=mesh,
        out_type=jax.ShapeDtypeStruct((batch, EMBED_DIM), jnp.float32),
        scratch_types=[
            pltpu.VMEM_SHARED((NUM_TABLE_ROWS, EMBED_DIM), jnp.float32),
            pltpu.VMEM((CHUNK,), jnp.int32),
            pltpu.VMEM((CHUNK,), jnp.int32),
            pltpu.VMEM((CHUNK, EMBED_DIM), jnp.float32),
            pltpu.VMEM((CHUNK, EMBED_DIM), jnp.float32),
            pltpu.SemaphoreType.DMA,
            pltpu.SemaphoreType.DMA,
            pltpu.SemaphoreType.DMA,
            pltpu.SemaphoreType.DMA,
        ],
    )
    def lookup(table_hbm, idx_hbm, out_hbm, tab_sh, idx0, idx1, rows0, rows1,
               gsem0, gsem1, isem0, isem1):
        sid = lax.axis_index("s")
        wid = sid * NUM_CORES + lax.axis_index("c")
        base = wid * b_per_w

        def idx_src(c):
            return idx_hbm.at[pl.ds(base + c * CHUNK, CHUNK)]

        def out_dst(c):
            return out_hbm.at[pl.ds(base + c * CHUNK, CHUNK)]

        @pl.when(sid == 0)
        def _():
            pltpu.sync_copy(table_hbm, tab_sh)

        plsc.subcore_barrier()

        pltpu.async_copy(idx_src(0), idx0, isem0)
        pltpu.async_copy(idx_src(1), idx1, isem1)
        pltpu.make_async_copy(idx_src(0), idx0, isem0).wait()
        pltpu.async_copy(tab_sh.at[idx0], rows0, gsem0)

        def body(g, carry):
            c0 = 2 * g
            more = g + 1 < pair_steps

            pltpu.make_async_copy(idx_src(c0 + 1), idx1, isem1).wait()
            pltpu.async_copy(tab_sh.at[idx1], rows1, gsem1)

            pltpu.make_async_copy(tab_sh.at[idx0], rows0, gsem0).wait()

            @pl.when(more)
            def _():
                pltpu.async_copy(idx_src(c0 + 2), idx0, isem0)

            pltpu.sync_copy(rows0, out_dst(c0))

            @pl.when(more)
            def _():
                pltpu.make_async_copy(idx_src(c0 + 2), idx0, isem0).wait()
                pltpu.async_copy(tab_sh.at[idx0], rows0, gsem0)

            pltpu.make_async_copy(tab_sh.at[idx1], rows1, gsem1).wait()

            @pl.when(more)
            def _():
                pltpu.async_copy(idx_src(c0 + 3), idx1, isem1)

            pltpu.sync_copy(rows1, out_dst(c0 + 1))
            return carry

        lax.fori_loop(0, pair_steps, body, 0)

    return lookup


def kernel(weights, positions):
    flat = positions.reshape(-1).astype(jnp.int32)
    out = _make_lookup(flat.shape[0])(weights, flat)
    return out.reshape(*positions.shape, EMBED_DIM)

# --- scband reference (transcript-rebuilt; emitter-appended) ---
"""Pipeline reference for scband-sinusoidal-positional-embedding-87522843558518 (READ-ONLY COPY).

The authoritative reference and input builder live on the scoring server;
editing this copy changes nothing except your own understanding.
"""

import math
import jax, jax.numpy as jnp
import numpy as np

EMBED_DIM = 128
PADDING_IDX = 0
NUM_EMBEDDINGS = 1024

def get_embedding(num_embeddings, embedding_dim, padding_idx):
    half_dim = embedding_dim // 2
    emb = math.log(10000) / (half_dim - 1)
    emb = jnp.exp(jnp.arange(half_dim, dtype=jnp.float32) * -emb)
    emb = jnp.arange(num_embeddings, dtype=jnp.float32)[:, None] * emb[None, :]
    emb = jnp.concatenate([jnp.sin(emb), jnp.cos(emb)], axis=1).reshape(num_embeddings, -1)
    if embedding_dim % 2 == 1:
        emb = jnp.concatenate([emb, jnp.zeros((num_embeddings, 1), dtype=jnp.float32)], axis=1)
    if padding_idx is not None:
        emb = emb.at[padding_idx].set(0.0)
    return emb

def setup_inputs(seed: int = 0) -> dict:
    key = jax.random.key(seed)
    positions = jax.random.randint(key, (4096, 200), 0, NUM_EMBEDDINGS, dtype=jnp.int64 if jax.config.jax_enable_x64 else jnp.int32)
    weights = get_embedding(NUM_EMBEDDINGS, EMBED_DIM, PADDING_IDX)
    return {"weights": weights, "positions": positions}

def reference(weights, positions):
    flat = positions.reshape(-1)
    out = jnp.take(weights, flat, axis=0)
    return out.reshape(*positions.shape, -1)

if __name__ == "__main__":
    import jax
    _d = setup_inputs()
    print(jax.jit(kernel)(*tuple(_d.values())))

</pallas_src>

<mosaic_0001>
#map = affine_map<(d0, d1) -> (0, 0)>
#map1 = affine_map<(d0, d1) -> (0)>
module attributes {stable_mosaic.version = 14 : i64} {
  func.func @lookup(%arg0: i32, %arg1: i32, %arg2: memref<1024x128xf32, #tpu.memory_space<hbm>>, %arg3: memref<819200xi32, #tpu.memory_space<hbm>>, %arg4: memref<819200x128xf32, #tpu.memory_space<hbm>>, %arg5: memref<1024x128xf32, #tpu.memory_space<vmem_shared>>, %arg6: memref<256xi32, #tpu.memory_space<vmem>>, %arg7: memref<256xi32, #tpu.memory_space<vmem>>, %arg8: memref<256x128xf32, #tpu.memory_space<vmem>>, %arg9: memref<256x128xf32, #tpu.memory_space<vmem>>, %arg10: memref<!tpu.dma_semaphore, #tpu.memory_space<semaphore_mem>>, %arg11: memref<!tpu.dma_semaphore, #tpu.memory_space<semaphore_mem>>, %arg12: memref<!tpu.dma_semaphore, #tpu.memory_space<semaphore_mem>>, %arg13: memref<!tpu.dma_semaphore, #tpu.memory_space<semaphore_mem>>) attributes {dimension_semantics = [#tpu.dimension_semantics<core_parallel>, #tpu.dimension_semantics<subcore_parallel>], iteration_bounds = array<i64: 2, 16>, scalar_prefetch = 0 : i64, scratch_operands = 9 : i64, tpu.core_type = #tpu.core_type<sc_vector_subcore>, window_params = [{transform_indices = #map}, {transform_indices = #map1}, {transform_indices = #map}]} {
    %mul3A = arith.constant 2 : i32
    %mul3A_0 = arith.muli %arg1, %mul3A : i32
    %add3A = arith.addi %mul3A_0, %arg0 : i32
    %mul3A_1 = arith.constant 25600 : i32
    %mul3A_2 = arith.muli %add3A, %mul3A_1 : i32
    %eq3A = arith.constant 0 : i32
    %eq3A_3 = arith.cmpi eq, %arg1, %eq3A : i32
    %convert_element_type3A = arith.extui %eq3A_3 : i1 to i32
    %cond3A = arith.constant 0 : i32
    %cond3A_4 = arith.cmpi ne, %convert_element_type3A, %cond3A : i32
    scf.if %cond3A_4 {
      "tpu.region"() ({
        %run_scoped3A = tpu.sem_alloc : memref<!tpu.dma_semaphore, #tpu.memory_space<semaphore_mem>>
        tpu.enqueue_dma source(%arg2 : memref<1024x128xf32, #tpu.memory_space<hbm>>) target(%arg5 : memref<1024x128xf32, #tpu.memory_space<vmem_shared>>) target_semaphore(%run_scoped3A : memref<!tpu.dma_semaphore, #tpu.memory_space<semaphore_mem>>)
        tpu.wait_dma2 semaphore(%run_scoped3A : memref<!tpu.dma_semaphore, #tpu.memory_space<semaphore_mem>>) src(%arg2 : memref<1024x128xf32, #tpu.memory_space<hbm>>) dst(%arg5 : memref<1024x128xf32, #tpu.memory_space<vmem_shared>>)
        tpu.yield
      }) : () -> ()
    } else {
    }
    %barrier3A = arith.constant 0 : index
    tpu.barrier barrier_id(%barrier3A)
    %add3A_5 = arith.constant 0 : i32
    %add3A_6 = arith.addi %mul3A_2, %add3A_5 : i32
    %dma_start3A = tpu.memref_slice %arg3[%add3A_6] : memref<819200xi32, #tpu.memory_space<hbm>> -> memref<256xi32, #tpu.memory_space<hbm>>
    %dma_start3A_7 = tpu.memref_slice %arg3[%add3A_6] : memref<819200xi32, #tpu.memory_space<hbm>> -> memref<256xi32, #tpu.memory_space<hbm>>
    tpu.enqueue_dma source(%dma_start3A_7 : memref<256xi32, #tpu.memory_space<hbm>>) target(%arg6 : memref<256xi32, #tpu.memory_space<vmem>>) target_semaphore(%arg12 : memref<!tpu.dma_semaphore, #tpu.memory_space<semaphore_mem>>)
    %add3A_8 = arith.constant 256 : i32
    %add3A_9 = arith.addi %mul3A_2, %add3A_8 : i32
    %dma_start3A_10 = tpu.memref_slice %arg3[%add3A_9] : memref<819200xi32, #tpu.memory_space<hbm>> -> memref<256xi32, #tpu.memory_space<hbm>>
    %dma_start3A_11 = tpu.memref_slice %arg3[%add3A_9] : memref<819200xi32, #tpu.memory_space<hbm>> -> memref<256xi32, #tpu.memory_space<hbm>>
    tpu.enqueue_dma source(%dma_start3A_11 : memref<256xi32, #tpu.memory_space<hbm>>) target(%arg7 : memref<256xi32, #tpu.memory_space<vmem>>) target_semaphore(%arg13 : memref<!tpu.dma_semaphore, #tpu.memory_space<semaphore_mem>>)
    %add3A_12 = arith.constant 0 : i32
    %add3A_13 = arith.addi %mul3A_2, %add3A_12 : i32
    %dma_wait3A = tpu.memref_slice %arg3[%add3A_13] : memref<819200xi32, #tpu.memory_space<hbm>> -> memref<256xi32, #tpu.memory_space<hbm>>
    %dma_wait3A_14 = tpu.memref_slice %arg3[%add3A_13] : memref<819200xi32, #tpu.memory_space<hbm>> -> memref<256xi32, #tpu.memory_space<hbm>>
    tpu.wait_dma2 semaphore(%arg12 : memref<!tpu.dma_semaphore, #tpu.memory_space<semaphore_mem>>) src(%dma_wait3A_14 : memref<256xi32, #tpu.memory_space<hbm>>) dst(%arg6 : memref<256xi32, #tpu.memory_space<vmem>>)
    %dma_start3A_15 = arith.constant 0 : i32
    %dma_start3A_16 = arith.constant 0 : i32
    %dma_start3A_17 = tpu.memref_slice %arg5[%dma_start3A_15, %dma_start3A_16] : memref<1024x128xf32, #tpu.memory_space<vmem_shared>> -> memref<1024x128xf32, #tpu.memory_space<vmem_shared>>
    tpu.enqueue_indirect_dma source(%dma_start3A_17 : memref<1024x128xf32, #tpu.memory_space<vmem_shared>>) target(%arg8 : memref<256x128xf32, #tpu.memory_space<vmem>>) offsets(%arg6 : memref<256xi32, #tpu.memory_space<vmem>>) semaphore(%arg10 : memref<!tpu.dma_semaphore, #tpu.memory_space<semaphore_mem>>)
    %scan3A = arith.constant 0 : i32
    %scan3A_18 = arith.constant 0 : i32
    %scan3A_19 = arith.constant 50 : i32
    %scan3A_20 = arith.addi %scan3A_18, %scan3A_19 : i32
    %scan3A_21 = arith.constant 1 : i32
    scf.for %scan3A_23 = %scan3A_18 to %scan3A_20 step %scan3A_21  : i32 {
      %mul3A_24 = arith.constant 2 : i32
      %mul3A_25 = arith.muli %mul3A_24, %scan3A_23 : i32
      %add3A_26 = arith.constant 1 : i32
      %add3A_27 = arith.addi %scan3A_23, %add3A_26 : i32
      %lt3A = arith.constant 50 : i32
      %lt3A_28 = arith.cmpi slt, %add3A_27, %lt3A : i32
      %add3A_29 = arith.constant 1 : i32
      %add3A_30 = arith.addi %mul3A_25, %add3A_29 : i32
      %mul3A_31 = arith.constant 256 : i32
      %mul3A_32 = arith.muli %add3A_30, %mul3A_31 : i32
      %add3A_33 = arith.addi %mul3A_2, %mul3A_32 : i32
      %dma_wait3A_34 = tpu.memref_slice %arg3[%add3A_33] : memref<819200xi32, #tpu.memory_space<hbm>> -> memref<256xi32, #tpu.memory_space<hbm>>
      %dma_wait3A_35 = tpu.memref_slice %arg3[%add3A_33] : memref<819200xi32, #tpu.memory_space<hbm>> -> memref<256xi32, #tpu.memory_space<hbm>>
      tpu.wait_dma2 semaphore(%arg13 : memref<!tpu.dma_semaphore, #tpu.memory_space<semaphore_mem>>) src(%dma_wait3A_35 : memref<256xi32, #tpu.memory_space<hbm>>) dst(%arg7 : memref<256xi32, #tpu.memory_space<vmem>>)
      %dma_start3A_36 = arith.constant 0 : i32
      %dma_start3A_37 = arith.constant 0 : i32
      %dma_start3A_38 = tpu.memref_slice %arg5[%dma_start3A_36, %dma_start3A_37] : memref<1024x128xf32, #tpu.memory_space<vmem_shared>> -> memref<1024x128xf32, #tpu.memory_space<vmem_shared>>
      tpu.enqueue_indirect_dma source(%dma_start3A_38 : memref<1024x128xf32, #tpu.memory_space<vmem_shared>>) target(%arg9 : memref<256x128xf32, #tpu.memory_space<vmem>>) offsets(%arg7 : memref<256xi32, #tpu.memory_space<vmem>>) semaphore(%arg11 : memref<!tpu.dma_semaphore, #tpu.memory_space<semaphore_mem>>)
      %dma_wait3A_39 = arith.constant 0 : i32
      %dma_wait3A_40 = arith.constant 0 : i32
      %dma_wait3A_41 = tpu.memref_slice %arg5[%dma_wait3A_39, %dma_wait3A_40] : memref<1024x128xf32, #tpu.memory_space<vmem_shared>> -> memref<1024x128xf32, #tpu.memory_space<vmem_shared>>
      tpu.wait_indirect_dma semaphore(%arg10 : memref<!tpu.dma_semaphore, #tpu.memory_space<semaphore_mem>>) src(%dma_wait3A_41 : memref<1024x128xf32, #tpu.memory_space<vmem_shared>>) dst(%arg8 : memref<256x128xf32, #tpu.memory_space<vmem>>)
      %convert_element_type3A_42 = arith.extui %lt3A_28 : i1 to i32
      %cond3A_43 = arith.constant 0 : i32
      %cond3A_44 = arith.cmpi ne, %convert_element_type3A_42, %cond3A_43 : i32
      scf.if %cond3A_44 {
        %add3A_62 = arith.constant 2 : i32
        %add3A_63 = arith.addi %mul3A_25, %add3A_62 : i32
        %mul3A_64 = arith.constant 256 : i32
        %mul3A_65 = arith.muli %add3A_63, %mul3A_64 : i32
        %add3A_66 = arith.addi %mul3A_2, %mul3A_65 : i32
        %dma_start3A_67 = tpu.memref_slice %arg3[%add3A_66] : memref<819200xi32, #tpu.memory_space<hbm>> -> memref<256xi32, #tpu.memory_space<hbm>>
        %dma_start3A_68 = tpu.memref_slice %arg3[%add3A_66] : memref<819200xi32, #tpu.memory_space<hbm>> -> memref<256xi32, #tpu.memory_space<hbm>>
        tpu.enqueue_dma source(%dma_start3A_68 : memref<256xi32, #tpu.memory_space<hbm>>) target(%arg6 : memref<256xi32, #tpu.memory_space<vmem>>) target_semaphore(%arg12 : memref<!tpu.dma_semaphore, #tpu.memory_space<semaphore_mem>>)
      } else {
      }
      %mul3A_45 = arith.constant 256 : i32
      %mul3A_46 = arith.muli %mul3A_25, %mul3A_45 : i32
      %add3A_47 = arith.addi %mul3A_2, %mul3A_46 : i32
      "tpu.region"() ({
        %run_scoped3A = tpu.sem_alloc : memref<!tpu.dma_semaphore, #tpu.memory_space<semaphore_mem>>
        %dma_start3A_62 = arith.constant 0 : i32
        %dma_start3A_63 = tpu.memref_slice %arg4[%add3A_47, %dma_start3A_62] : memref<819200x128xf32, #tpu.memory_space<hbm>> -> memref<256x128xf32, #tpu.memory_space<hbm>>
        %dma_start3A_64 = arith.constant 0 : i32
        %dma_start3A_65 = tpu.memref_slice %arg4[%add3A_47, %dma_start3A_64] : memref<819200x128xf32, #tpu.memory_space<hbm>> -> memref<256x128xf32, #tpu.memory_space<hbm>>
        tpu.enqueue_dma source(%arg8 : memref<256x128xf32, #tpu.memory_space<vmem>>) target(%dma_start3A_65 : memref<256x128xf32, #tpu.memory_space<hbm>>) target_semaphore(%run_scoped3A : memref<!tpu.dma_semaphore, #tpu.memory_space<semaphore_mem>>)
        %dma_wait3A_66 = arith.constant 0 : i32
        %dma_wait3A_67 = tpu.memref_slice %arg4[%add3A_47, %dma_wait3A_66] : memref<819200x128xf32, #tpu.memory_space<hbm>> -> memref<256x128xf32, #tpu.memory_space<hbm>>
        %dma_wait3A_68 = arith.constant 0 : i32
        %dma_wait3A_69 = tpu.memref_slice %arg4[%add3A_47, %dma_wait3A_68] : memref<819200x128xf32, #tpu.memory_space<hbm>> -> memref<256x128xf32, #tpu.memory_space<hbm>>
        tpu.wait_dma2 semaphore(%run_scoped3A : memref<!tpu.dma_semaphore, #tpu.memory_space<semaphore_mem>>) src(%arg8 : memref<256x128xf32, #tpu.memory_space<vmem>>) dst(%dma_wait3A_69 : memref<256x128xf32, #tpu.memory_space<hbm>>)
        tpu.yield
      }) : () -> ()
      %convert_element_type3A_48 = arith.extui %lt3A_28 : i1 to i32
      %cond3A_49 = arith.constant 0 : i32
      %cond3A_50 = arith.cmpi ne, %convert_element_type3A_48, %cond3A_49 : i32
      scf.if %cond3A_50 {
        %add3A_62 = arith.constant 2 : i32
        %add3A_63 = arith.addi %mul3A_25, %add3A_62 : i32
        %mul3A_64 = arith.constant 256 : i32
        %mul3A_65 = arith.muli %add3A_63, %mul3A_64 : i32
        %add3A_66 = arith.addi %mul3A_2, %mul3A_65 : i32
        %dma_wait3A_67 = tpu.memref_slice %arg3[%add3A_66] : memref<819200xi32, #tpu.memory_space<hbm>> -> memref<256xi32, #tpu.memory_space<hbm>>
        %dma_wait3A_68 = tpu.memref_slice %arg3[%add3A_66] : memref<819200xi32, #tpu.memory_space<hbm>> -> memref<256xi32, #tpu.memory_space<hbm>>
        tpu.wait_dma2 semaphore(%arg12 : memref<!tpu.dma_semaphore, #tpu.memory_space<semaphore_mem>>) src(%dma_wait3A_68 : memref<256xi32, #tpu.memory_space<hbm>>) dst(%arg6 : memref<256xi32, #tpu.memory_space<vmem>>)
        %dma_start3A_69 = arith.constant 0 : i32
        %dma_start3A_70 = arith.constant 0 : i32
        %dma_start3A_71 = tpu.memref_slice %arg5[%dma_start3A_69, %dma_start3A_70] : memref<1024x128xf32, #tpu.memory_space<vmem_shared>> -> memref<1024x128xf32, #tpu.memory_space<vmem_shared>>
        tpu.enqueue_indirect_dma source(%dma_start3A_71 : memref<1024x128xf32, #tpu.memory_space<vmem_shared>>) target(%arg8 : memref<256x128xf32, #tpu.memory_space<vmem>>) offsets(%arg6 : memref<256xi32, #tpu.memory_space<vmem>>) semaphore(%arg10 : memref<!tpu.dma_semaphore, #tpu.memory_space<semaphore_mem>>)
      } else {
      }
      %dma_wait3A_51 = arith.constant 0 : i32
      %dma_wait3A_52 = arith.constant 0 : i32
      %dma_wait3A_53 = tpu.memref_slice %arg5[%dma_wait3A_51, %dma_wait3A_52] : memref<1024x128xf32, #tpu.memory_space<vmem_shared>> -> memref<1024x128xf32, #tpu.memory_space<vmem_shared>>
      tpu.wait_indirect_dma semaphore(%arg11 : memref<!tpu.dma_semaphore, #tpu.memory_space<semaphore_mem>>) src(%dma_wait3A_53 : memref<1024x128xf32, #tpu.memory_space<vmem_shared>>) dst(%arg9 : memref<256x128xf32, #tpu.memory_space<vmem>>)
      %convert_element_type3A_54 = arith.extui %lt3A_28 : i1 to i32
      %cond3A_55 = arith.constant 0 : i32
      %cond3A_56 = arith.cmpi ne, %convert_element_type3A_54, %cond3A_55 : i32
      scf.if %cond3A_56 {
        %add3A_62 = arith.constant 3 : i32
        %add3A_63 = arith.addi %mul3A_25, %add3A_62 : i32
        %mul3A_64 = arith.constant 256 : i32
        %mul3A_65 = arith.muli %add3A_63, %mul3A_64 : i32
        %add3A_66 = arith.addi %mul3A_2, %mul3A_65 : i32
        %dma_start3A_67 = tpu.memref_slice %arg3[%add3A_66] : memref<819200xi32, #tpu.memory_space<hbm>> -> memref<256xi32, #tpu.memory_space<hbm>>
        %dma_start3A_68 = tpu.memref_slice %arg3[%add3A_66] : memref<819200xi32, #tpu.memory_space<hbm>> -> memref<256xi32, #tpu.memory_space<hbm>>
        tpu.enqueue_dma source(%dma_start3A_68 : memref<256xi32, #tpu.memory_space<hbm>>) target(%arg7 : memref<256xi32, #tpu.memory_space<vmem>>) target_semaphore(%arg13 : memref<!tpu.dma_semaphore, #tpu.memory_space<semaphore_mem>>)
      } else {
      }
      %add3A_57 = arith.constant 1 : i32
      %add3A_58 = arith.addi %mul3A_25, %add3A_57 : i32
      %mul3A_59 = arith.constant 256 : i32
      %mul3A_60 = arith.muli %add3A_58, %mul3A_59 : i32
      %add3A_61 = arith.addi %mul3A_2, %mul3A_60 : i32
      "tpu.region"() ({
        %run_scoped3A = tpu.sem_alloc : memref<!tpu.dma_semaphore, #tpu.memory_space<semaphore_mem>>
        %dma_start3A_62 = arith.constant 0 : i32
        %dma_start3A_63 = tpu.memref_slice %arg4[%add3A_61, %dma_start3A_62] : memref<819200x128xf32, #tpu.memory_space<hbm>> -> memref<256x128xf32, #tpu.memory_space<hbm>>
        %dma_start3A_64 = arith.constant 0 : i32
        %dma_start3A_65 = tpu.memref_slice %arg4[%add3A_61, %dma_start3A_64] : memref<819200x128xf32, #tpu.memory_space<hbm>> -> memref<256x128xf32, #tpu.memory_space<hbm>>
        tpu.enqueue_dma source(%arg9 : memref<256x128xf32, #tpu.memory_space<vmem>>) target(%dma_start3A_65 : memref<256x128xf32, #tpu.memory_space<hbm>>) target_semaphore(%run_scoped3A : memref<!tpu.dma_semaphore, #tpu.memory_space<semaphore_mem>>)
        %dma_wait3A_66 = arith.constant 0 : i32
        %dma_wait3A_67 = tpu.memref_slice %arg4[%add3A_61, %dma_wait3A_66] : memref<819200x128xf32, #tpu.memory_space<hbm>> -> memref<256x128xf32, #tpu.memory_space<hbm>>
        %dma_wait3A_68 = arith.constant 0 : i32
        %dma_wait3A_69 = tpu.memref_slice %arg4[%add3A_61, %dma_wait3A_68] : memref<819200x128xf32, #tpu.memory_space<hbm>> -> memref<256x128xf32, #tpu.memory_space<hbm>>
        tpu.wait_dma2 semaphore(%run_scoped3A : memref<!tpu.dma_semaphore, #tpu.memory_space<semaphore_mem>>) src(%arg9 : memref<256x128xf32, #tpu.memory_space<vmem>>) dst(%dma_wait3A_69 : memref<256x128xf32, #tpu.memory_space<hbm>>)
        tpu.yield
      }) : () -> ()
    }
    %scan3A_22 = arith.constant 50 : i32
    return
  }
}

</mosaic_0001>

<sc_bundles>
// kernel: kernel.3.cloned.1.call-start
scs
__scs_entry_jumppad:
0x0: {  	(pc) =	sbr.rel $0x88, $3  }
0x1: {  	(tag) =	ssettag $0x0;
	lr =	simm.s32 $0x1  }
0x2: {  	[smem:$0x3F9F] =	sst lr;
	_ =	strace $0xD0000000  }
0x3: {  	_ = 	snop  }
0x4: {  	_ = 	snop  }
0x5: {  	_ = 	snop  }
0x6: {  	_ = 	snop  }
0x7: {  	_ = 	snop  }
__scs_overlays_trampoline_lowered:
0x8: {  	[smem:$0x3FAE] =	sst s0  }
0x9: {  	[smem:$0x3FAF] =	sst s1  }
0xa: {  	[smem:$0x3FB0] =	sst s2  }
0xb: {  	[smem:$0x3FB1] =	sst s3  }
0xc: {  	[smem:$0x3FB2] =	sst s4  }
0xd: {  	[smem:$0x3FB3] =	sst s5  }
0xe: {  	[smem:$0x3FB4] =	sst s6  }
0xf: {  	[smem:$0x3FB5] =	sst s7  }
0x10: {  	[smem:$0x3FB6] =	sst s8  }
0x11: {  	[smem:$0x3FB7] =	sst s9;
	s0 =	simm.s32 @!p0 $0x0  }
0x12: {  	s1 =	sld [smem:$0x3F9D];
	s0 =	simm.s32 @p0 $0x1  }
0x13: {  	[smem:$0x3FB8] =	sst s0;
	s0 =	simm.s32 @!p1 $0x0  }
0x14: {  	s2 =	sld [smem:$0x3F9C];
	s0 =	simm.s32 @p1 $0x1  }
0x15: {  	[smem:$0x3FB9] =	sst s0;
	s0 =	simm.s32 @!p2 $0x0  }
0x16: {  	s3 =	sld [smem:$0x3FDB];
	s0 =	simm.s32 @p2 $0x1  }
0x17: {  	s4 =	simm.s32 $0x1BF5;
	[smem:$0x3FBB] =	sst s0  }
0x18: {  	s0 =	sld [smem:$0x3F9E];
	_ =	swait.ge [sflag:s4], $0x0  }
0x19: {  	s7 =	sld [smem:$0x3F9F]  }
0x1a: {  	s8 =	sadd.s32 $0xFFFFE003, lr  }
0x1b: {  	s9 =	sadd.s32 $0xFFFFFEF7, lr;
	s5 =	simm.s32 $0xFFFFFFFF;
	p2 =	slt.u32 s8, $0xFFFFF086  }
0x1c: {  	p1 =	slt.u32 s9, $0xF7A;
	s5 =	simm.s32 @!p2 $0x0  }
0x1d: {  	s5 =	simm.s32 @p1 $0x1;
	p0 =	seq.s32 s7, s2  }
0x1e: {  	s7 =	smul.u32 @!p0 $0xF7A, s2;
	p2 =	seq.s32 @!p0 s5, $0x0  }
0x1f: {  	s9 =	smul.u32 $0xF7A, s1;
	s8 =	simm.s32 @!p0 $0x1BF5;
	p2 =	por !p2, p0  }
0x20: {  	[sflag:s8] =	ssyncset.s32 @!p0 $0xFFFFF086;
	s6 =	sadd.s32 @!p0 s3, s7;
	s7 =	simm.s32 @!p0 $0x108  }
0x21: {  	s3 =	sadd.s32 s3, s9;
	s6 =	sadd.s32 @!p0 $0x88, s6;
	s7 =	simm.s32 @p2 $0x1082  }
0x22: {  	[simem:s7], [sflag:s8] =	dma.local @!p0 [hbm:s6], $0xF7A  }
0x23: {  	s9 =	sor.u32 $0xD0000000, s2;
	s6 =	simm.s32 $0x108;
	_ =	swait.ge @!p0 [sflag:s8], $0x0  }
0x24: {  	s3 =	sadd.s32 $0x88, s3;
	s6 =	simm.s32 @!p1 $0x1082;
	[sflag:s4] =	ssyncset.s32 $0xFFFFF086  }
0x25: {  	[simem:s6], [sflag:s4] =	dma.local [hbm:s3], $0xF7A  }
0x26: {  	[smem:$0x3F9F] =	sst s1;
	(tag) =	ssettag s2;
	_ =	strace s9  }
0x27: {  	s1 =	sld [smem:$0x3FAF]  }
0x28: {  	s2 =	sld [smem:$0x3FB0]  }
0x29: {  	s4 =	sld [smem:$0x3FB2]  }
0x2a: {  	p0 =	seq.s32 s5, $0x0;
	s5 =	sld [smem:$0x3FB3]  }
0x2b: {  	s6 =	sld [smem:$0x3FB4]  }
0x2c: {  	s7 =	sld [smem:$0x3FB5]  }
0x2d: {  	s3 =	simm.s32 $0x108;
	s8 =	sld [smem:$0x3FB6]  }
0x2e: {  	s3 =	simm.s32 @!p0 $0x1082;
	s9 =	sld [smem:$0x3FB7]  }
0x2f: {  	lr =	sadd.s32 s0, s3;
	s0 =	sld [smem:$0x3FAE]  }
0x30: {  	s3 =	sld [smem:$0x3FB1]  }
0x31: {  	[smem:$0x3FBA] =	sst s10  }
0x32: {  	s10 =	sld [smem:$0x3FB8];
	_ =	sdelay $0x3  }
0x33: {  	p0 =	seq.s32 s10, $0x1;
	s10 =	sld [smem:$0x3FBA];
	_ =	sdelay $0x3  }
0x34: {  	[smem:$0x3FBA] =	sst s10  }
0x35: {  	s10 =	sld [smem:$0x3FB9];
	_ =	sdelay $0x3  }
0x36: {  	p1 =	seq.s32 s10, $0x1;
	s10 =	sld [smem:$0x3FBA];
	_ =	sdelay $0x3  }
0x37: {  	[smem:$0x3FBA] =	sst s10  }
0x38: {  	s10 =	sld [smem:$0x3FBB]  }
0x39: {  	_ = 	snop;
	(pc) =	sbr.ind lr, $3  }
0x3a: {  	_ = 	snop  }
0x3b: {  	_ = 	snop  }
0x3c: {  	p2 =	seq.s32 s10, $0x1;
	s10 =	sld [smem:$0x3FBA]  }
0x3d: {  	_ =	shalt  }
0x3e: {  	_ =	shalt  }
0x3f: {  	_ =	shalt  }
0x40: {  	_ =	shalt  }
0x41: {  	_ =	shalt  }
0x42: {  	_ =	shalt  }
0x43: {  	_ =	shalt  }
0x44: {  	_ =	shalt  }
0x45: {  	_ =	shalt  }
0x46: {  	_ =	shalt  }
0x47: {  	_ =	shalt  }
0x48: {  	_ =	shalt  }
0x49: {  	_ =	shalt  }
0x4a: {  	_ =	shalt  }
0x4b: {  	_ =	shalt  }
0x4c: {  	_ =	shalt  }
0x4d: {  	_ =	shalt  }
0x4e: {  	_ =	shalt  }
0x4f: {  	_ =	shalt  }
0x50: {  	_ =	shalt  }
0x51: {  	_ =	shalt  }
0x52: {  	_ =	shalt  }
0x53: {  	_ =	shalt  }
0x54: {  	_ =	shalt  }
0x55: {  	_ =	shalt  }
0x56: {  	_ =	shalt  }
0x57: {  	_ =	shalt  }
0x58: {  	_ =	shalt  }
0x59: {  	_ =	shalt  }
0x5a: {  	_ =	shalt  }
0x5b: {  	_ =	shalt  }
0x5c: {  	_ =	shalt  }
0x5d: {  	_ =	shalt  }
0x5e: {  	_ =	shalt  }
0x5f: {  	_ =	shalt  }
0x60: {  	_ =	shalt  }
0x61: {  	_ =	shalt  }
0x62: {  	_ =	shalt  }
0x63: {  	_ =	shalt  }
0x64: {  	_ =	shalt  }
0x65: {  	_ =	shalt  }
0x66: {  	_ =	shalt  }
0x67: {  	_ =	shalt  }
0x68: {  	_ =	shalt  }
0x69: {  	_ =	shalt  }
0x6a: {  	_ =	shalt  }
0x6b: {  	_ =	shalt  }
0x6c: {  	_ =	shalt  }
0x6d: {  	_ =	shalt  }
0x6e: {  	_ =	shalt  }
0x6f: {  	_ =	shalt  }
0x70: {  	_ =	shalt  }
0x71: {  	_ =	shalt  }
0x72: {  	_ =	shalt  }
0x73: {  	_ =	shalt  }
0x74: {  	_ =	shalt  }
0x75: {  	_ =	shalt  }
0x76: {  	_ =	shalt  }
0x77: {  	_ =	shalt  }
0x78: {  	_ =	shalt  }
0x79: {  	_ =	shalt  }
0x7a: {  	_ =	shalt  }
0x7b: {  	_ =	shalt  }
0x7c: {  	_ =	shalt  }
0x7d: {  	_ =	shalt  }
0x7e: {  	_ =	shalt  }
0x7f: {  	_ =	shalt  }
0x80: {  	_ =	shalt  }
0x81: {  	_ =	shalt  }
0x82: {  	_ =	shalt  }
0x83: {  	_ =	shalt  }
0x84: {  	_ =	shalt  }
0x85: {  	_ =	shalt  }
0x86: {  	_ =	shalt  }
0x87: {  	_ =	shalt  }
.Lfunc_end0:
.L_simem_size_0:
called_computation_lowered:
.L_overlay_start_0:
0x88: {  	s2 =	sld [smem:$0x3FD9]  }
0x89: {  	s3 =	sld [smem:$0x3FFE];
	_ =	sdelay $0x1  }
0x8a: {  	s1 =	srdreg.scid  }
0x8b: {  	s0 =	sand.u32 $0x1, s1  }
0x8c: {  	s17 =	sshll.u32 s0, $0xA;
	s2 =	sadd.s32 s3, s2  }
0x8d: {  	s2 =	sadd.s32 s2, s17  }
0x8e: {  	[smem:$0x3FC6] =	sst s2  }
0x8f: {  	_ = 	snop  }
0x90: {  	s2 =	sld [smem:$0x3FC9]  }
0x91: {  	s18 =	sld [smem:$0x3FD0];
	(tm) =	ssettm $0x1  }
0x92: {  	s4 =	sld [smem:$0x3FFB];
	_ =	sdelay $0x3  }
0x93: {  	_ =	strace s4  }
0x94: {  	s4 =	sld [smem:$0x3FFC];
	_ =	sdelay $0x3  }
0x95: {  	_ =	strace s4  }
0x96: {  	s4 =	sld [smem:$0x3FFD];
	_ =	sdelay $0x3  }
0x97: {  	_ =	strace s4  }
0x98: {  	_ =	strace $0x8FFFFFFF  }
0x99: {  	s19 =	sld [smem:$0x3FDB];
	_ =	sdelay $0x1  }
0x9a: {  	s5 =	simm.s32 $_scs_section_size  }
0x9b: {  	s6 =	simm.s32 $_size__tile_overlayer_lowered;
	s7 =	simm.s32 $_tile_overlayer_lowered  }
0x9c: {  	s22 =	simm.s32 $0x1BFF;
	s21 =	sshll.u32 s7, $0x1;
	s4 =	sadd.s32 s5, s19  }
0x9d: {  	s8 =	simm.s32 $0x0;
	s20 =	sshll.u32 s6, $0x1;
	s6 =	sadd.s32 s21, s4  }
0x9e: {  	[timem:s8], [sflag:s22] =	dma.local [hbm:s6], s20  }
0x9f: {  	_ =	swait.ge [sflag:s22], s20  }
0xa0: {  	s5 =	ssub.s32 $0x0, s20;
	[sflag:s22] =	ssyncset.done $0x0  }
0xa1: {  	[sflag:s22] =	ssyncadd.s32 s5;
	_ =	sdelay $0x1  }
0xa2: {  	s23 =	simm.s32 $0x1B8B  }
0xa3: {  	_ =	swait.ge [sflag:s23], $0x1  }
0xa4: {  	[sflag:s23] =	ssyncset.done $0x0  }
0xa5: {  	s25 =	simm.s32 $0x1B8E;
	s24 =	sld [smem:$0x3FFE];
	[sflag:s23] =	ssyncadd.s32 $0xFFFFFFFF  }
0xa6: {  	s26 =	simm.s32 $execute0_lowered;
	[smem:$0x3FD2] =	sst s25  }
0xa7: {  	s6 =	sshll.u32 s26, $0x1;
	_ =	strace $0x80000046;
	[dreg:$0x1] =	wrdreg $0xFFFFFFFF  }
0xa8: {  	s28 =	simm.s32 $_size_execute0_lowered;
	s4 =	sadd.s32 s4, s6;
	[dreg:$0x0] =	wrdreg $0x0  }
0xa9: {  	s6 =	sshll.u32 s28, $0x1;
	[dreg:$0x2] =	wrdreg s4  }
0xaa: {  	[dreg:$0x3] =	wrdreg s6  }
0xab: {  	[dreg:$0x4] =	wrdreg $0xC0  }
0xac: {  	_ =	task [dreg:s8], $0x5FFFF  }
0xad: {  	[dreg:$0x1] =	wrdreg $0xFFFFFFFF  }
0xae: {  	[dreg:$0x0] =	wrdreg $0x60  }
0xaf: {  	[dreg:$0x2] =	wrdreg s2  }
0xb0: {  	[dreg:$0x3] =	wrdreg s24  }
0xb1: {  	[dreg:$0x4] =	wrdreg s18  }
0xb2: {  	[dreg:$0x5] =	wrdreg $0x0  }
0xb3: {  	[dreg:$0x6] =	wrdreg $0x9  }
0xb4: {  	_ =	task.clear_ibuf [dreg:s8], $0x7FFFF;
	_ =	strace $0x90000046  }
0xb5: {  	s29 =	simm.s32 $0x9;
	_ =	strace $0x80000048  }
0xb6: {  	_ =	swait.ge [sflag:s29], $0x1  }
0xb7: {  	[sflag:s29] =	ssyncadd.s32 $0xFFFFFFFF  }
0xb8: {  	_ =	strace $0x90000048  }
0xb9: {  	_ =	sfence  }
0xba: {  	s30 =	sld [smem:$0x0];
	_ =	sdelay $0x2  }
0xbb: {  	s31 =	sshll.u32 s1, $0xD;
	s1 =	sshrl.u32 s1, $0x2  }
0xbc: {  	s3 =	sand.u32 $0x4000, s31;
	s1 =	sadd.s32 s1, s30  }
0xbd: {  	s0 =	sor.u32 s3, s0;
	s1 =	sshll.u32 s1, $0x11  }
0xbe: {  	s0 =	sor.u32 s1, s0  }
0xbf: {  	s0 =	sadd.s32 $0x8F2B, s0  }
0xc0: {  	[sflag:s0] =	ssyncadd.remote.s32 $0x1  }
0xc1: {  	_ =	sfence.sel $0xFFFF  }
0xc2: {  	[dreg:$0x0] =	wrdreg $0xFFFFFFFF;
	(pc) =	sbr.abs _section_cstart, $3  }
0xc3: {  	[dreg:$0x1] =	wrdreg $0xFFFFFFFF  }
0xc4: {  	_ =	task.clear_ibuf [dreg:s8], $0x2FFFF;
	_ =	strace $0x9FFFFFFF  }
0xc5: {  	(tm) =	ssettm $0x7FFFFFFF  }
tec
execute0_lowered:
.L_overlay_start_1:
0x0: {  	(tag) =	ssettag $0x1  }
0x1: {  	s0 =	rddreg [dreg:$0x0]  }
0x2: {  	s4 =	rddreg [dreg:$0x1]  }
0x3: {  	s10 =	rddreg [dreg:$0x2]  }
0x4: {  	s1 =	srdreg.scid;
	s13 =	stileid.u32  }
0x5: {  	s2 =	rddreg [dreg:$0x3];
	s14 =	smul.u32 $0x640000, s13  }
0x6: {  	s3 =	simm.s32 $0x0;
	s17 =	simm.s32 $0x100;
	s16 =	smul.u32 $0xC800, s13  }
0x7: {  	s18 =	simm.s32 $0x2200;
	s11 =	sand.u32 $0x1, s1;
	s28 =	smul.u32 $0xC8000, s13  }
0x8: {  	s19 =	simm.s32 $0x4;
	s20 =	simm.s32 $0xA200;
	s15 =	smul.u32 $0x320000, s11  }
0x9: {  	s5 =	sshll.u32 s13, $0x1;
	s1 =	rddreg [dreg:$0x4];
	s25 =	smul.u32 $0x6400, s11  }
0xa: {  	s5 =	sor.u32 s11, s5;
	s8 =	ssub.s32 $0x2, s11;
	s11 =	smul.u32 $0x64000, s11  }
0xb: {  	[smem:$0x7FF] =	sst s3;
	s12 =	sadd.s32 $0x400, s4;
	s6 =	smul.u32 $0x6400, s5  }
0xc: {  	p0 =	sne.s32 s13, $0x0;
	_ =	strace $0x80000047;
	s7 =	smul.u32 $0x320000, s5  }
0xd: {  	s13 =	sshrl.u32 @!p0 s2, $0x3;
	s9 =	smul.u32 $0x64000, s5;
	s22 =	sshrl.u32 s8, $0x1  }
0xe: {  	s23 =	ssub.s32 s8, s22;
	s14 =	sadd.s32 s15, s14;
	s26 =	sadd.s32 s25, s16  }
0xf: {  	s16 =	sadd.s32 s28, s10;
	s22 =	simm.s32 $0x5;
	s21 =	sshrl.u32 s6, $0x3  }
0x10: {  	s6 =	smax.u32 s23, $0x1;
	s7 =	sshrl.u32 s7, $0x3;
	s24 =	sadd.s32 s10, s9  }
0x11: {  	s14 =	sshrl.u32 s14, $0x3;
	s29 =	sor.u32 $0x300, s26;
	s15 =	sor.u32 $0x200, s26  }
0x12: {  	s31 =	sadd.s32 s11, s16;
	s16 =	simm.s32 $0x3;
	s23 =	simm.s32 $0x2  }
0x13: {  	s4 =	sadd.s32 s12, s21;
	s7 =	sadd.s32 s10, s7;
	s8 =	sadd.s32 $0x63000, s24  }
0x14: {  	s9 =	sadd.s32 s14, s10;
	s14 =	sshrl.u32 s29, $0x3;
	s30 =	sshrl.u32 s15, $0x3  }
0x15: {  	s15 =	simm.s32 $0x2100;
	s21 =	simm.s32 $0x1;
	s24 =	simm.s32 $0x0  }
0x16: {  	s5 =	sadd.s32 $0x20, s4;
	s7 =	sadd.s32 $0x62000, s7;
	s10 =	sadd.s32 s14, s12  }
0x17: {  	s11 =	sadd.s32 s30, s12;
	s12 =	sadd.s32 $0x1000, s31;
	s14 =	simm.s32 $0x2000  }
.LBB2_1:
0x18: {  	s25 =	simm.s32 @!p0 $0x1C05  }
0x19: {  	[spmem:s13], [sflag:s25] =	dma.local @!p0 [hbm:s0], $0x4000  }
0x1a: {  	s25 =	simm.s32 @!p0 $0x5  }
0x1b: {  	_ =	swait.ge @!p0 [sflag:s25], $0x4000  }
0x1c: {  	[sflag:s25] =	ssyncset.done @!p0 $0x0  }
0x1d: {  	[sflag:s25] =	ssyncadd.s32 @!p0 $0xFFFFC000  }
0x1e: {  	[bflag:$0x0] =	sbarrier.arrive $0xFFFF  }
0x1f: {  	[tilespmem:s14], [sflag:$0x3] =	stream.linear.gather [hbm4b:s4+s3], $0x100, $0x38;
	[tilespmem:$0x12200] =	vst v63  }
0x20: {  	_ = 	snop  }
0x21: {  	[tilespmem:s15], [sflag:$0x4] =	stream.linear.gather [hbm4b:s5+s3], $0x100, $0x38;
	[tilespmem:$0x12200] =	vst v63  }
0x22: {  	_ =	swait.ge [sflag:s16], $0x100  }
0x23: {  	[sflag:s16] =	ssyncset.done $0x0  }
0x24: {  	[sflag:s16] =	ssyncadd.s32 $0xFFFFFF00  }
0x25: {  	[tilespmem:s18], [sflag:$0x1] =	stream.indirect.gather [spmem:s2], $0x80, s14, s17, $0xb8;
	[tilespmem:$0x12200] =	vst v63  }
0x26: {  	_ =	swait.ge [sflag:s19], $0x100  }
0x27: {  	[sflag:s19] =	ssyncset.done $0x0  }
0x28: {  	[sflag:s19] =	ssyncadd.s32 $0xFFFFFF00  }
0x29: {  	[tilespmem:s20], [sflag:$0x2] =	stream.indirect.gather [spmem:s2], $0x80, s15, s17, $0xb8;
	[tilespmem:$0x12200] =	vst v63  }
0x2a: {  	_ =	swait.ge [sflag:s21], $0x8000  }
0x2b: {  	[sflag:s21] =	ssyncset.done $0x0  }
0x2c: {  	s30 =	sadd.s32 $0x0, s11;
	[sflag:s21] =	ssyncadd.s32 $0xFFFF8000  }
0x2d: {  	[tilespmem:s14], [sflag:$0x3] =	stream.linear.gather [hbm4b:s30+s3], $0x100, $0x38;
	[tilespmem:$0x12200] =	vst v63  }
0x2e: {  	_ = 	snop  }
0x2f: {  	[hbm4b:s9+s3] =	stream.linear.scatter [tilespmem:s18], [sflag:$0x5], $0x8000, $0x38;
	[tilespmem:$0x12200] =	vst v63  }
0x30: {  	_ =	swait.ge [sflag:s22], $0x8000  }
0x31: {  	[sflag:s22] =	ssyncset.done $0x0  }
0x32: {  	[sflag:s22] =	ssyncadd.s32 $0xFFFF8000  }
0x33: {  	_ =	swait.ge [sflag:s16], $0x100  }
0x34: {  	[sflag:s16] =	ssyncset.done $0x0  }
0x35: {  	[sflag:s16] =	ssyncadd.s32 $0xFFFFFF00  }
0x36: {  	[tilespmem:s18], [sflag:$0x1] =	stream.indirect.gather [spmem:s2], $0x80, s14, s17, $0xb8;
	[tilespmem:$0x12200] =	vst v63  }
0x37: {  	_ =	swait.ge [sflag:s23], $0x8000  }
0x38: {  	[sflag:s23] =	ssyncset.done $0x0  }
0x39: {  	s31 =	sadd.s32 $0x0, s10;
	[sflag:s23] =	ssyncadd.s32 $0xFFFF8000  }
0x3a: {  	[tilespmem:s15], [sflag:$0x4] =	stream.linear.gather [hbm4b:s31+s3], $0x100, $0x38;
	[tilespmem:$0x12200] =	vst v63  }
0x3b: {  	_ = 	snop  }
0x3c: {  	[hbm4b:s12+s3] =	stream.linear.scatter [tilespmem:s20], [sflag:$0x5], $0x8000, $0x38;
	[tilespmem:$0x12200] =	vst v63  }
0x3d: {  	s26 =	smov.u32 s9;
	_ =	swait.ge [sflag:s22], $0x8000  }
0x3e: {  	s28 =	smov.u32 s12;
	s25 =	simm.s32 $0x40;
	[sflag:s22] =	ssyncset.done $0x0  }
.LBB2_2:
0x3f: {  	[sflag:s22] =	ssyncadd.s32 $0xFFFF8000;
	s26 =	sadd.s32 $0x2000, s26;
	s28 =	sadd.s32 $0x2000, s28  }
0x40: {  	p1 =	sne.s32 s25, $0xC00;
	s29 =	smov.u32 s25;
	s25 =	sadd.s32 $0x40, s25  }
0x41: {  	_ =	swait.ge [sflag:s19], $0x100  }
0x42: {  	[sflag:s19] =	ssyncset.done $0x0  }
0x43: {  	[sflag:s19] =	ssyncadd.s32 $0xFFFFFF00  }
0x44: {  	[tilespmem:s20], [sflag:$0x2] =	stream.indirect.gather [spmem:s2], $0x80, s15, s17, $0xb8;
	[tilespmem:$0x12200] =	vst v63  }
0x45: {  	_ =	swait.ge [sflag:s21], $0x8000  }
0x46: {  	[sflag:s21] =	ssyncset.done $0x0  }
0x47: {  	s30 =	sadd.s32 s29, s11;
	[sflag:s21] =	ssyncadd.s32 $0xFFFF8000  }
0x48: {  	[tilespmem:s14], [sflag:$0x3] =	stream.linear.gather [hbm4b:s30+s3], $0x100, $0x38;
	[tilespmem:$0x12200] =	vst v63  }
0x49: {  	_ = 	snop  }
0x4a: {  	[hbm4b:s26+s3] =	stream.linear.scatter [tilespmem:s18], [sflag:$0x5], $0x8000, $0x38;
	[tilespmem:$0x12200] =	vst v63  }
0x4b: {  	_ =	swait.ge [sflag:s22], $0x8000  }
0x4c: {  	[sflag:s22] =	ssyncset.done $0x0  }
0x4d: {  	[sflag:s22] =	ssyncadd.s32 $0xFFFF8000  }
0x4e: {  	_ =	swait.ge [sflag:s16], $0x100  }
0x4f: {  	[sflag:s16] =	ssyncset.done $0x0  }
0x50: {  	[sflag:s16] =	ssyncadd.s32 $0xFFFFFF00  }
0x51: {  	[tilespmem:s18], [sflag:$0x1] =	stream.indirect.gather [spmem:s2], $0x80, s14, s17, $0xb8;
	[tilespmem:$0x12200] =	vst v63  }
0x52: {  	_ =	swait.ge [sflag:s23], $0x8000  }
0x53: {  	[sflag:s23] =	ssyncset.done $0x0  }
0x54: {  	s29 =	sadd.s32 s29, s10;
	[sflag:s23] =	ssyncadd.s32 $0xFFFF8000  }
0x55: {  	[tilespmem:s15], [sflag:$0x4] =	stream.linear.gather [hbm4b:s29+s3], $0x100, $0x38;
	[tilespmem:$0x12200] =	vst v63  }
.Ltmp0:
0x56: {  	_ = 	snop;
	(pc) =	sbr.rel @p1 .LBB2_2-.Ltmp0, $4  }
0x57: {  	_ = 	snop  }
0x58: {  	[hbm4b:s28+s3] =	stream.linear.scatter [tilespmem:s20], [sflag:$0x5], $0x8000, $0x38;
	[tilespmem:$0x12200] =	vst v63  }
0x59: {  	_ =	swait.ge [sflag:s22], $0x8000  }
0x5a: {  	[sflag:s22] =	ssyncset.done $0x0  }
0x5b: {  	[sflag:s22] =	ssyncadd.s32 $0xFFFF8000  }
0x5c: {  	_ =	swait.ge [sflag:s19], $0x100  }
0x5d: {  	[sflag:s19] =	ssyncset.done $0x0  }
0x5e: {  	[sflag:s19] =	ssyncadd.s32 $0xFFFFFF00  }
0x5f: {  	[tilespmem:s20], [sflag:$0x2] =	stream.indirect.gather [spmem:s2], $0x80, s15, s17, $0xb8;
	[tilespmem:$0x12200] =	vst v63  }
0x60: {  	_ =	swait.ge [sflag:s21], $0x8000  }
0x61: {  	[sflag:s21] =	ssyncset.done $0x0  }
0x62: {  	[sflag:s21] =	ssyncadd.s32 $0xFFFF8000  }
0x63: {  	[hbm4b:s7+s3] =	stream.linear.scatter [tilespmem:s18], [sflag:$0x5], $0x8000, $0x38;
	[tilespmem:$0x12200] =	vst v63  }
0x64: {  	_ =	swait.ge [sflag:s22], $0x8000  }
0x65: {  	[sflag:s22] =	ssyncset.done $0x0  }
0x66: {  	[sflag:s22] =	ssyncadd.s32 $0xFFFF8000  }
0x67: {  	s24 =	sadd.s32 $0x1, s24;
	_ =	swait.ge [sflag:s23], $0x8000  }
0x68: {  	p1 =	sne.s32 s24, s6;
	[sflag:s23] =	ssyncset.done $0x0  }
.Ltmp1:
0x69: {  	[sflag:s23] =	ssyncadd.s32 $0xFFFF8000;
	(pc) =	sbr.rel @p1 .LBB2_1-.Ltmp1, $4  }
0x6a: {  	[hbm4b:s8+s3] =	stream.linear.scatter [tilespmem:s20], [sflag:$0x5], $0x8000, $0x38;
	[tilespmem:$0x12200] =	vst v63  }
0x6b: {  	_ =	swait.ge [sflag:s22], $0x8000  }
0x6c: {  	[sflag:s22] =	ssyncset.done $0x0  }
0x6d: {  	[sflag:s22] =	ssyncadd.s32 $0xFFFF8000  }
0x6e: {  	_ =	sfence.sel $0x180000  }
0x6f: {  	[bflag:$0x0] =	sbarrier.arrive $0xFFFF  }
0x70: {  	_ =	strace $0x90000047  }
0x71: {  	s0 =	sadd.s32 @!p0 $0x100000, s1;
	[bflag:$0x2] =	sbarrier.arrive $0xFFFF  }
0x72: {  	[sflag:s0] =	ssyncadd.tile.s32 @!p0 $0x1;
	_ =	shalt  }
.Lfunc_end2:
_tile_overlayer_lowered:
.L_overlay_start_2:
0x73: {  	(tag) =	ssettag $0x2  }
0x74: {  	s0 =	rddreg [dreg:$0x0];
	s2 =	stileid.u32  }
0x75: {  	s1 =	rddreg [dreg:$0x1];
	p0 =	sne.s32 s2, $0x0  }
0x76: {  	s3 =	rddreg [dreg:$0x2];
	[bflag:$0x3] =	sbarrier.arrive $0xFFFF;
	s2 =	simm.s32 @!p0 $0x1C05  }
0x77: {  	[timem:s3], [sflag:s2] =	dma.local @!p0 [hbm:s0], s1  }
0x78: {  	s0 =	simm.s32 @!p0 $0x5  }
0x79: {  	_ =	swait.ge @!p0 [sflag:s0], s1  }
0x7a: {  	s1 =	ssub.s32 @!p0 $0x0, s1;
	[sflag:s0] =	ssyncset.done @!p0 $0x0  }
0x7b: {  	[sflag:s0] =	ssyncadd.s32 @!p0 s1  }
0x7c: {  	[bflag:$0x3] =	sbarrier.arrive $0xFFFF  }
0x7d: {  	_ =	shalt  }

</sc_bundles>
